<compile_context>
chip_gen: v7x
topology: tpu7x:2x2x1
jax: 0.10.2.dev20260603
libtpu: 0.0.44.dev20260713+nightly
codegen_flags: <defaults>
</compile_context>

<pallas_src>
import functools

import jax
import jax.numpy as jnp
from jax import lax
from jax.experimental import pallas as pl
from jax.experimental.pallas import tpu as pltpu
from jax.experimental.pallas import tpu_sc as plsc

_B, _T, _D = 4, 2048, 1024
_E = 8
_CAP_F = 1.25
_Z_COEFF = 0.001
_N_TOK = _B * _T
_BLK = 2048
_GRID = _N_TOK // _BLK
_CAPACITY = float(int(_CAP_F * _N_TOK / _E))

_NW = 32
_ZTOT = _N_TOK * _D
_ZPW = _ZTOT // _NW
_ZCH = 16384
_ZNC = _ZPW // _ZCH


def _sc_zeros_body(out_hbm, buf, sem):
    c = lax.axis_index("c")
    s = lax.axis_index("s")
    wid = s * 2 + c
    base = wid * _ZPW

    def _zinit(j, carry):
        buf[pl.ds(j * 16, 16)] = jnp.zeros((16,), jnp.float32)
        return carry

    lax.fori_loop(0, _ZCH // 16, _zinit, 0)
    copies = [
        pltpu.async_copy(buf, out_hbm.at[pl.ds(base + k * _ZCH, _ZCH)], sem)
        for k in range(_ZNC)
    ]
    for cp in copies:
        cp.wait()


_sc_zeros = functools.partial(
    pl.kernel,
    mesh=plsc.VectorSubcoreMesh(core_axis_name="c", subcore_axis_name="s"),
    out_type=jax.ShapeDtypeStruct((_ZTOT,), jnp.float32),
    scratch_types=[
        pltpu.VMEM((_ZCH,), jnp.float32),
        pltpu.SemaphoreType.DMA,
    ],
)(_sc_zeros_body)


def _router_body(x_ref, wrt_ref, br_ref, counts_ref, loss_ref):
    i = pl.program_id(0)

    @pl.when(i == 0)
    def _init():
        counts_ref[...] = jnp.zeros_like(counts_ref)
        loss_ref[...] = jnp.zeros_like(loss_ref)

    x = x_ref[...]
    logits = jnp.dot(x, wrt_ref[...],
                     preferred_element_type=jnp.float32)
    logits = logits + br_ref[...]

    loss_ref[...] = loss_ref[...] + jnp.sum(logits * logits)

    eidx = lax.broadcasted_iota(jnp.int32, logits.shape, 1)
    m1 = jnp.max(logits, axis=1, keepdims=True)
    a1 = jnp.min(jnp.where(logits == m1, eidx, _E), axis=1, keepdims=True)
    neg = jnp.float32(-jnp.inf)
    l2 = jnp.where(eidx == a1, neg, logits)
    m2 = jnp.max(l2, axis=1, keepdims=True)
    a2 = jnp.min(jnp.where(l2 == m2, eidx, _E), axis=1, keepdims=True)

    onehot = ((eidx == a1).astype(jnp.float32)
              + (eidx == a2).astype(jnp.float32))
    counts_ref[...] = counts_ref[...] + jnp.sum(onehot, axis=0, keepdims=True)

    @pl.when(i == _GRID - 1)
    def _fin():
        c = jnp.minimum(counts_ref[...], jnp.float32(_CAPACITY))
        counts_ref[...] = c
        load = c / (jnp.sum(c) + jnp.float32(1e-6))
        bal = jnp.float32(_E) * jnp.sum(load * load)
        z = jnp.float32(_Z_COEFF) * loss_ref[...] / jnp.float32(_N_TOK * _E)
        loss_ref[...] = bal + z


def kernel(x, Wr, br, W1, b1, W2, b2):
    xr = x.reshape(_N_TOK, _D)
    wrt = Wr.T
    brr = br.reshape(1, _E)

    counts2, loss2 = pl.pallas_call(
        _router_body,
        grid=(_GRID,),
        in_specs=[
            pl.BlockSpec((_BLK, _D), lambda i: (i, 0)),
            pl.BlockSpec((_D, _E), lambda i: (0, 0)),
            pl.BlockSpec((1, _E), lambda i: (0, 0)),
        ],
        out_specs=[
            pl.BlockSpec((1, _E), lambda i: (0, 0)),
            pl.BlockSpec((1, 1), lambda i: (0, 0)),
        ],
        out_shape=[
            jax.ShapeDtypeStruct((1, _E), jnp.float32),
            jax.ShapeDtypeStruct((1, 1), jnp.float32),
        ],
    )(xr, wrt, brr)

    output = _sc_zeros().reshape(_B, _T, _D)
    return (output, loss2.reshape(()), counts2.reshape(_E))

# --- scband reference (transcript-rebuilt; emitter-appended) ---
"""Pipeline reference for scband-mo-e-29652454212575 (READ-ONLY COPY).

The authoritative reference and input builder live on the scoring server;
editing this copy changes nothing except your own understanding.
"""

import jax, jax.numpy as jnp
import numpy as np

B, T, D = 4, 2048, 1024
E, H, K = 8, 2048, 2
CAP_F = 1.25
Z_COEFF = 0.001


def setup_inputs(seed: int = 0) -> dict:
    key = jax.random.key(seed)
    ks = jax.random.split(key, 6)
    x = jax.random.normal(ks[0], (B, T, D), dtype=jnp.float32)
    # Router linear params (torch nn.Linear layout: [out, in])
    Wr = jax.random.normal(ks[1], (E, D), dtype=jnp.float32) / np.sqrt(D)
    br = jnp.zeros((E,), dtype=jnp.float32)
    # Expert FFN params, stacked over experts
    W1 = jax.random.normal(ks[2], (E, H, D), dtype=jnp.float32) / np.sqrt(D)
    b1 = jnp.zeros((E, H), dtype=jnp.float32)
    W2 = jax.random.normal(ks[3], (E, D, H), dtype=jnp.float32) / np.sqrt(H)
    b2 = jnp.zeros((E, D), dtype=jnp.float32)
    return {"x": x, "Wr": Wr, "br": br, "W1": W1, "b1": b1, "W2": W2, "b2": b2}


def reference(x, Wr, br, W1, b1, W2, b2):
    Bs, Ts, Ds = x.shape
    # Router
    logits = jnp.einsum('btd,ed->bte', x, Wr) + br
    probs = jax.nn.softmax(logits, axis=-1)
    z_loss = Z_COEFF * jnp.mean(logits ** 2)
    topk_probs, topk_idx = jax.lax.top_k(probs, K)
    capacity = int(CAP_F * Bs * Ts / E)
    # NOTE: the original torch code does `output[mask][:n] += out`, which writes
    # into a temporary copy produced by boolean advanced indexing; the expert
    # outputs are therefore discarded and `output` remains all zeros. We
    # replicate that behavior faithfully.
    output = jnp.zeros_like(x)
    counts = jnp.zeros((E,), dtype=jnp.float32)
    for e in range(E):
        mask = (topk_idx == e).any(axis=-1)  # [B, T] bool
        cnt = mask.sum()
        used = jnp.minimum(cnt, capacity).astype(jnp.float32)
        counts = counts.at[e].add(used)
    load = counts / (counts.sum() + 1e-6)
    balance_loss = E * (load * load).sum()
    return (output, balance_loss + z_loss, counts)

if __name__ == "__main__":
    import jax
    _d = setup_inputs()
    print(jax.jit(kernel)(*tuple(_d.values())))

</pallas_src>

<mosaic_0001>
#map = affine_map<(d0, d1) -> (0)>
module attributes {stable_mosaic.version = 14 : i64} {
  func.func @_sc_zeros_body(%arg0: i32, %arg1: i32, %arg2: memref<8388608xf32, #tpu.memory_space<hbm>>, %arg3: memref<16384xf32, #tpu.memory_space<vmem>>, %arg4: memref<!tpu.dma_semaphore, #tpu.memory_space<semaphore_mem>>) attributes {dimension_semantics = [#tpu.dimension_semantics<core_parallel>, #tpu.dimension_semantics<subcore_parallel>], iteration_bounds = array<i64: 2, 16>, scalar_prefetch = 0 : i64, scratch_operands = 2 : i64, tpu.core_type = #tpu.core_type<sc_vector_subcore>, window_params = [{transform_indices = #map}]} {
    %mul3A = arith.constant 2 : i32
    %mul3A_0 = arith.muli %arg1, %mul3A : i32
    %add3A = arith.addi %mul3A_0, %arg0 : i32
    %mul3A_1 = arith.constant 262144 : i32
    %mul3A_2 = arith.muli %add3A, %mul3A_1 : i32
    %scan3A = arith.constant 0 : i32
    %scan3A_3 = arith.constant 0 : i32
    %scan3A_4 = arith.constant 1024 : i32
    %scan3A_5 = arith.addi %scan3A_3, %scan3A_4 : i32
    %scan3A_6 = arith.constant 1 : i32
    scf.for %scan3A_102 = %scan3A_3 to %scan3A_5 step %scan3A_6  : i32 {
      %broadcast_in_dim3A = arith.constant 0.000000e+00 : f32
      %broadcast_in_dim3A_103 = vector.broadcast %broadcast_in_dim3A : f32 to vector<16xf32>
      %mul3A_104 = arith.constant 16 : i32
      %mul3A_105 = arith.muli %scan3A_102, %mul3A_104 : i32
      %swap3A = arith.index_cast %mul3A_105 : i32 to index
      %swap3A_106 = tpu.vector_load %arg3[%swap3A] {strides = array<i32>} : memref<16384xf32, #tpu.memory_space<vmem>>, vector<16xf32>,
      %swap3A_107 = vector.shape_cast %swap3A_106 : vector<16xf32> to vector<16xf32>
      %swap3A_108 = vector.shape_cast %broadcast_in_dim3A_103 : vector<16xf32> to vector<16xf32>
      tpu.vector_store %arg3[%swap3A], %swap3A_108 {strides = array<i32>} : memref<16384xf32, #tpu.memory_space<vmem>>, vector<16xf32>,
    }
    %scan3A_7 = arith.constant 1024 : i32
    %add3A_8 = arith.constant 0 : i32
    %add3A_9 = arith.addi %mul3A_2, %add3A_8 : i32
    %dma_start3A = tpu.memref_slice %arg2[%add3A_9] : memref<8388608xf32, #tpu.memory_space<hbm>> -> memref<16384xf32, #tpu.memory_space<hbm>>
    %dma_start3A_10 = tpu.memref_slice %arg2[%add3A_9] : memref<8388608xf32, #tpu.memory_space<hbm>> -> memref<16384xf32, #tpu.memory_space<hbm>>
    tpu.enqueue_dma source(%arg3 : memref<16384xf32, #tpu.memory_space<vmem>>) target(%dma_start3A_10 : memref<16384xf32, #tpu.memory_space<hbm>>) target_semaphore(%arg4 : memref<!tpu.dma_semaphore, #tpu.memory_space<semaphore_mem>>)
    %add3A_11 = arith.constant 16384 : i32
    %add3A_12 = arith.addi %mul3A_2, %add3A_11 : i32
    %dma_start3A_13 = tpu.memref_slice %arg2[%add3A_12] : memref<8388608xf32, #tpu.memory_space<hbm>> -> memref<16384xf32, #tpu.memory_space<hbm>>
    %dma_start3A_14 = tpu.memref_slice %arg2[%add3A_12] : memref<8388608xf32, #tpu.memory_space<hbm>> -> memref<16384xf32, #tpu.memory_space<hbm>>
    tpu.enqueue_dma source(%arg3 : memref<16384xf32, #tpu.memory_space<vmem>>) target(%dma_start3A_14 : memref<16384xf32, #tpu.memory_space<hbm>>) target_semaphore(%arg4 : memref<!tpu.dma_semaphore, #tpu.memory_space<semaphore_mem>>)
    %add3A_15 = arith.constant 32768 : i32
    %add3A_16 = arith.addi %mul3A_2, %add3A_15 : i32
    %dma_start3A_17 = tpu.memref_slice %arg2[%add3A_16] : memref<8388608xf32, #tpu.memory_space<hbm>> -> memref<16384xf32, #tpu.memory_space<hbm>>
    %dma_start3A_18 = tpu.memref_slice %arg2[%add3A_16] : memref<8388608xf32, #tpu.memory_space<hbm>> -> memref<16384xf32, #tpu.memory_space<hbm>>
    tpu.enqueue_dma source(%arg3 : memref<16384xf32, #tpu.memory_space<vmem>>) target(%dma_start3A_18 : memref<16384xf32, #tpu.memory_space<hbm>>) target_semaphore(%arg4 : memref<!tpu.dma_semaphore, #tpu.memory_space<semaphore_mem>>)
    %add3A_19 = arith.constant 49152 : i32
    %add3A_20 = arith.addi %mul3A_2, %add3A_19 : i32
    %dma_start3A_21 = tpu.memref_slice %arg2[%add3A_20] : memref<8388608xf32, #tpu.memory_space<hbm>> -> memref<16384xf32, #tpu.memory_space<hbm>>
    %dma_start3A_22 = tpu.memref_slice %arg2[%add3A_20] : memref<8388608xf32, #tpu.memory_space<hbm>> -> memref<16384xf32, #tpu.memory_space<hbm>>
    tpu.enqueue_dma source(%arg3 : memref<16384xf32, #tpu.memory_space<vmem>>) target(%dma_start3A_22 : memref<16384xf32, #tpu.memory_space<hbm>>) target_semaphore(%arg4 : memref<!tpu.dma_semaphore, #tpu.memory_space<semaphore_mem>>)
    %add3A_23 = arith.constant 65536 : i32
    %add3A_24 = arith.addi %mul3A_2, %add3A_23 : i32
    %dma_start3A_25 = tpu.memref_slice %arg2[%add3A_24] : memref<8388608xf32, #tpu.memory_space<hbm>> -> memref<16384xf32, #tpu.memory_space<hbm>>
    %dma_start3A_26 = tpu.memref_slice %arg2[%add3A_24] : memref<8388608xf32, #tpu.memory_space<hbm>> -> memref<16384xf32, #tpu.memory_space<hbm>>
    tpu.enqueue_dma source(%arg3 : memref<16384xf32, #tpu.memory_space<vmem>>) target(%dma_start3A_26 : memref<16384xf32, #tpu.memory_space<hbm>>) target_semaphore(%arg4 : memref<!tpu.dma_semaphore, #tpu.memory_space<semaphore_mem>>)
    %add3A_27 = arith.constant 81920 : i32
    %add3A_28 = arith.addi %mul3A_2, %add3A_27 : i32
    %dma_start3A_29 = tpu.memref_slice %arg2[%add3A_28] : memref<8388608xf32, #tpu.memory_space<hbm>> -> memref<16384xf32, #tpu.memory_space<hbm>>
    %dma_start3A_30 = tpu.memref_slice %arg2[%add3A_28] : memref<8388608xf32, #tpu.memory_space<hbm>> -> memref<16384xf32, #tpu.memory_space<hbm>>
    tpu.enqueue_dma source(%arg3 : memref<16384xf32, #tpu.memory_space<vmem>>) target(%dma_start3A_30 : memref<16384xf32, #tpu.memory_space<hbm>>) target_semaphore(%arg4 : memref<!tpu.dma_semaphore, #tpu.memory_space<semaphore_mem>>)
    %add3A_31 = arith.constant 98304 : i32
    %add3A_32 = arith.addi %mul3A_2, %add3A_31 : i32
    %dma_start3A_33 = tpu.memref_slice %arg2[%add3A_32] : memref<8388608xf32, #tpu.memory_space<hbm>> -> memref<16384xf32, #tpu.memory_space<hbm>>
    %dma_start3A_34 = tpu.memref_slice %arg2[%add3A_32] : memref<8388608xf32, #tpu.memory_space<hbm>> -> memref<16384xf32, #tpu.memory_space<hbm>>
    tpu.enqueue_dma source(%arg3 : memref<16384xf32, #tpu.memory_space<vmem>>) target(%dma_start3A_34 : memref<16384xf32, #tpu.memory_space<hbm>>) target_semaphore(%arg4 : memref<!tpu.dma_semaphore, #tpu.memory_space<semaphore_mem>>)
    %add3A_35 = arith.constant 114688 : i32
    %add3A_36 = arith.addi %mul3A_2, %add3A_35 : i32
    %dma_start3A_37 = tpu.memref_slice %arg2[%add3A_36] : memref<8388608xf32, #tpu.memory_space<hbm>> -> memref<16384xf32, #tpu.memory_space<hbm>>
    %dma_start3A_38 = tpu.memref_slice %arg2[%add3A_36] : memref<8388608xf32, #tpu.memory_space<hbm>> -> memref<16384xf32, #tpu.memory_space<hbm>>
    tpu.enqueue_dma source(%arg3 : memref<16384xf32, #tpu.memory_space<vmem>>) target(%dma_start3A_38 : memref<16384xf32, #tpu.memory_space<hbm>>) target_semaphore(%arg4 : memref<!tpu.dma_semaphore, #tpu.memory_space<semaphore_mem>>)
    %add3A_39 = arith.constant 131072 : i32
    %add3A_40 = arith.addi %mul3A_2, %add3A_39 : i32
    %dma_start3A_41 = tpu.memref_slice %arg2[%add3A_40] : memref<8388608xf32, #tpu.memory_space<hbm>> -> memref<16384xf32, #tpu.memory_space<hbm>>
    %dma_start3A_42 = tpu.memref_slice %arg2[%add3A_40] : memref<8388608xf32, #tpu.memory_space<hbm>> -> memref<16384xf32, #tpu.memory_space<hbm>>
    tpu.enqueue_dma source(%arg3 : memref<16384xf32, #tpu.memory_space<vmem>>) target(%dma_start3A_42 : memref<16384xf32, #tpu.memory_space<hbm>>) target_semaphore(%arg4 : memref<!tpu.dma_semaphore, #tpu.memory_space<semaphore_mem>>)
    %add3A_43 = arith.constant 147456 : i32
    %add3A_44 = arith.addi %mul3A_2, %add3A_43 : i32
    %dma_start3A_45 = tpu.memref_slice %arg2[%add3A_44] : memref<8388608xf32, #tpu.memory_space<hbm>> -> memref<16384xf32, #tpu.memory_space<hbm>>
    %dma_start3A_46 = tpu.memref_slice %arg2[%add3A_44] : memref<8388608xf32, #tpu.memory_space<hbm>> -> memref<16384xf32, #tpu.memory_space<hbm>>
    tpu.enqueue_dma source(%arg3 : memref<16384xf32, #tpu.memory_space<vmem>>) target(%dma_start3A_46 : memref<16384xf32, #tpu.memory_space<hbm>>) target_semaphore(%arg4 : memref<!tpu.dma_semaphore, #tpu.memory_space<semaphore_mem>>)
    %add3A_47 = arith.constant 163840 : i32
    %add3A_48 = arith.addi %mul3A_2, %add3A_47 : i32
    %dma_start3A_49 = tpu.memref_slice %arg2[%add3A_48] : memref<8388608xf32, #tpu.memory_space<hbm>> -> memref<16384xf32, #tpu.memory_space<hbm>>
    %dma_start3A_50 = tpu.memref_slice %arg2[%add3A_48] : memref<8388608xf32, #tpu.memory_space<hbm>> -> memref<16384xf32, #tpu.memory_space<hbm>>
    tpu.enqueue_dma source(%arg3 : memref<16384xf32, #tpu.memory_space<vmem>>) target(%dma_start3A_50 : memref<16384xf32, #tpu.memory_space<hbm>>) target_semaphore(%arg4 : memref<!tpu.dma_semaphore, #tpu.memory_space<semaphore_mem>>)
    %add3A_51 = arith.constant 180224 : i32
    %add3A_52 = arith.addi %mul3A_2, %add3A_51 : i32
    %dma_start3A_53 = tpu.memref_slice %arg2[%add3A_52] : memref<8388608xf32, #tpu.memory_space<hbm>> -> memref<16384xf32, #tpu.memory_space<hbm>>
    %dma_start3A_54 = tpu.memref_slice %arg2[%add3A_52] : memref<8388608xf32, #tpu.memory_space<hbm>> -> memref<16384xf32, #tpu.memory_space<hbm>>
    tpu.enqueue_dma source(%arg3 : memref<16384xf32, #tpu.memory_space<vmem>>) target(%dma_start3A_54 : memref<16384xf32, #tpu.memory_space<hbm>>) target_semaphore(%arg4 : memref<!tpu.dma_semaphore, #tpu.memory_space<semaphore_mem>>)
    %add3A_55 = arith.constant 196608 : i32
    %add3A_56 = arith.addi %mul3A_2, %add3A_55 : i32
    %dma_start3A_57 = tpu.memref_slice %arg2[%add3A_56] : memref<8388608xf32, #tpu.memory_space<hbm>> -> memref<16384xf32, #tpu.memory_space<hbm>>
    %dma_start3A_58 = tpu.memref_slice %arg2[%add3A_56] : memref<8388608xf32, #tpu.memory_space<hbm>> -> memref<16384xf32, #tpu.memory_space<hbm>>
    tpu.enqueue_dma source(%arg3 : memref<16384xf32, #tpu.memory_space<vmem>>) target(%dma_start3A_58 : memref<16384xf32, #tpu.memory_space<hbm>>) target_semaphore(%arg4 : memref<!tpu.dma_semaphore, #tpu.memory_space<semaphore_mem>>)
    %add3A_59 = arith.constant 212992 : i32
    %add3A_60 = arith.addi %mul3A_2, %add3A_59 : i32
    %dma_start3A_61 = tpu.memref_slice %arg2[%add3A_60] : memref<8388608xf32, #tpu.memory_space<hbm>> -> memref<16384xf32, #tpu.memory_space<hbm>>
    %dma_start3A_62 = tpu.memref_slice %arg2[%add3A_60] : memref<8388608xf32, #tpu.memory_space<hbm>> -> memref<16384xf32, #tpu.memory_space<hbm>>
    tpu.enqueue_dma source(%arg3 : memref<16384xf32, #tpu.memory_space<vmem>>) target(%dma_start3A_62 : memref<16384xf32, #tpu.memory_space<hbm>>) target_semaphore(%arg4 : memref<!tpu.dma_semaphore, #tpu.memory_space<semaphore_mem>>)
    %add3A_63 = arith.constant 229376 : i32
    %add3A_64 = arith.addi %mul3A_2, %add3A_63 : i32
    %dma_start3A_65 = tpu.memref_slice %arg2[%add3A_64] : memref<8388608xf32, #tpu.memory_space<hbm>> -> memref<16384xf32, #tpu.memory_space<hbm>>
    %dma_start3A_66 = tpu.memref_slice %arg2[%add3A_64] : memref<8388608xf32, #tpu.memory_space<hbm>> -> memref<16384xf32, #tpu.memory_space<hbm>>
    tpu.enqueue_dma source(%arg3 : memref<16384xf32, #tpu.memory_space<vmem>>) target(%dma_start3A_66 : memref<16384xf32, #tpu.memory_space<hbm>>) target_semaphore(%arg4 : memref<!tpu.dma_semaphore, #tpu.memory_space<semaphore_mem>>)
    %add3A_67 = arith.constant 245760 : i32
    %add3A_68 = arith.addi %mul3A_2, %add3A_67 : i32
    %dma_start3A_69 = tpu.memref_slice %arg2[%add3A_68] : memref<8388608xf32, #tpu.memory_space<hbm>> -> memref<16384xf32, #tpu.memory_space<hbm>>
    %dma_start3A_70 = tpu.memref_slice %arg2[%add3A_68] : memref<8388608xf32, #tpu.memory_space<hbm>> -> memref<16384xf32, #tpu.memory_space<hbm>>
    tpu.enqueue_dma source(%arg3 : memref<16384xf32, #tpu.memory_space<vmem>>) target(%dma_start3A_70 : memref<16384xf32, #tpu.memory_space<hbm>>) target_semaphore(%arg4 : memref<!tpu.dma_semaphore, #tpu.memory_space<semaphore_mem>>)
    %dma_wait3A = tpu.memref_slice %arg2[%add3A_9] : memref<8388608xf32, #tpu.memory_space<hbm>> -> memref<16384xf32, #tpu.memory_space<hbm>>
    %dma_wait3A_71 = tpu.memref_slice %arg2[%add3A_9] : memref<8388608xf32, #tpu.memory_space<hbm>> -> memref<16384xf32, #tpu.memory_space<hbm>>
    tpu.wait_dma2 semaphore(%arg4 : memref<!tpu.dma_semaphore, #tpu.memory_space<semaphore_mem>>) src(%arg3 : memref<16384xf32, #tpu.memory_space<vmem>>) dst(%dma_wait3A_71 : memref<16384xf32, #tpu.memory_space<hbm>>)
    %dma_wait3A_72 = tpu.memref_slice %arg2[%add3A_12] : memref<8388608xf32, #tpu.memory_space<hbm>> -> memref<16384xf32, #tpu.memory_space<hbm>>
    %dma_wait3A_73 = tpu.memref_slice %arg2[%add3A_12] : memref<8388608xf32, #tpu.memory_space<hbm>> -> memref<16384xf32, #tpu.memory_space<hbm>>
    tpu.wait_dma2 semaphore(%arg4 : memref<!tpu.dma_semaphore, #tpu.memory_space<semaphore_mem>>) src(%arg3 : memref<16384xf32, #tpu.memory_space<vmem>>) dst(%dma_wait3A_73 : memref<16384xf32, #tpu.memory_space<hbm>>)
    %dma_wait3A_74 = tpu.memref_slice %arg2[%add3A_16] : memref<8388608xf32, #tpu.memory_space<hbm>> -> memref<16384xf32, #tpu.memory_space<hbm>>
    %dma_wait3A_75 = tpu.memref_slice %arg2[%add3A_16] : memref<8388608xf32, #tpu.memory_space<hbm>> -> memref<16384xf32, #tpu.memory_space<hbm>>
    tpu.wait_dma2 semaphore(%arg4 : memref<!tpu.dma_semaphore, #tpu.memory_space<semaphore_mem>>) src(%arg3 : memref<16384xf32, #tpu.memory_space<vmem>>) dst(%dma_wait3A_75 : memref<16384xf32, #tpu.memory_space<hbm>>)
    %dma_wait3A_76 = tpu.memref_slice %arg2[%add3A_20] : memref<8388608xf32, #tpu.memory_space<hbm>> -> memref<16384xf32, #tpu.memory_space<hbm>>
    %dma_wait3A_77 = tpu.memref_slice %arg2[%add3A_20] : memref<8388608xf32, #tpu.memory_space<hbm>> -> memref<16384xf32, #tpu.memory_space<hbm>>
    tpu.wait_dma2 semaphore(%arg4 : memref<!tpu.dma_semaphore, #tpu.memory_space<semaphore_mem>>) src(%arg3 : memref<16384xf32, #tpu.memory_space<vmem>>) dst(%dma_wait3A_77 : memref<16384xf32, #tpu.memory_space<hbm>>)
    %dma_wait3A_78 = tpu.memref_slice %arg2[%add3A_24] : memref<8388608xf32, #tpu.memory_space<hbm>> -> memref<16384xf32, #tpu.memory_space<hbm>>
    %dma_wait3A_79 = tpu.memref_slice %arg2[%add3A_24] : memref<8388608xf32, #tpu.memory_space<hbm>> -> memref<16384xf32, #tpu.memory_space<hbm>>
    tpu.wait_dma2 semaphore(%arg4 : memref<!tpu.dma_semaphore, #tpu.memory_space<semaphore_mem>>) src(%arg3 : memref<16384xf32, #tpu.memory_space<vmem>>) dst(%dma_wait3A_79 : memref<16384xf32, #tpu.memory_space<hbm>>)
    %dma_wait3A_80 = tpu.memref_slice %arg2[%add3A_28] : memref<8388608xf32, #tpu.memory_space<hbm>> -> memref<16384xf32, #tpu.memory_space<hbm>>
    %dma_wait3A_81 = tpu.memref_slice %arg2[%add3A_28] : memref<8388608xf32, #tpu.memory_space<hbm>> -> memref<16384xf32, #tpu.memory_space<hbm>>
    tpu.wait_dma2 semaphore(%arg4 : memref<!tpu.dma_semaphore, #tpu.memory_space<semaphore_mem>>) src(%arg3 : memref<16384xf32, #tpu.memory_space<vmem>>) dst(%dma_wait3A_81 : memref<16384xf32, #tpu.memory_space<hbm>>)
    %dma_wait3A_82 = tpu.memref_slice %arg2[%add3A_32] : memref<8388608xf32, #tpu.memory_space<hbm>> -> memref<16384xf32, #tpu.memory_space<hbm>>
    %dma_wait3A_83 = tpu.memref_slice %arg2[%add3A_32] : memref<8388608xf32, #tpu.memory_space<hbm>> -> memref<16384xf32, #tpu.memory_space<hbm>>
    tpu.wait_dma2 semaphore(%arg4 : memref<!tpu.dma_semaphore, #tpu.memory_space<semaphore_mem>>) src(%arg3 : memref<16384xf32, #tpu.memory_space<vmem>>) dst(%dma_wait3A_83 : memref<16384xf32, #tpu.memory_space<hbm>>)
    %dma_wait3A_84 = tpu.memref_slice %arg2[%add3A_36] : memref<8388608xf32, #tpu.memory_space<hbm>> -> memref<16384xf32, #tpu.memory_space<hbm>>
    %dma_wait3A_85 = tpu.memref_slice %arg2[%add3A_36] : memref<8388608xf32, #tpu.memory_space<hbm>> -> memref<16384xf32, #tpu.memory_space<hbm>>
    tpu.wait_dma2 semaphore(%arg4 : memref<!tpu.dma_semaphore, #tpu.memory_space<semaphore_mem>>) src(%arg3 : memref<16384xf32, #tpu.memory_space<vmem>>) dst(%dma_wait3A_85 : memref<16384xf32, #tpu.memory_space<hbm>>)
    %dma_wait3A_86 = tpu.memref_slice %arg2[%add3A_40] : memref<8388608xf32, #tpu.memory_space<hbm>> -> memref<16384xf32, #tpu.memory_space<hbm>>
    %dma_wait3A_87 = tpu.memref_slice %arg2[%add3A_40] : memref<8388608xf32, #tpu.memory_space<hbm>> -> memref<16384xf32, #tpu.memory_space<hbm>>
    tpu.wait_dma2 semaphore(%arg4 : memref<!tpu.dma_semaphore, #tpu.memory_space<semaphore_mem>>) src(%arg3 : memref<16384xf32, #tpu.memory_space<vmem>>) dst(%dma_wait3A_87 : memref<16384xf32, #tpu.memory_space<hbm>>)
    %dma_wait3A_88 = tpu.memref_slice %arg2[%add3A_44] : memref<8388608xf32, #tpu.memory_space<hbm>> -> memref<16384xf32, #tpu.memory_space<hbm>>
    %dma_wait3A_89 = tpu.memref_slice %arg2[%add3A_44] : memref<8388608xf32, #tpu.memory_space<hbm>> -> memref<16384xf32, #tpu.memory_space<hbm>>
    tpu.wait_dma2 semaphore(%arg4 : memref<!tpu.dma_semaphore, #tpu.memory_space<semaphore_mem>>) src(%arg3 : memref<16384xf32, #tpu.memory_space<vmem>>) dst(%dma_wait3A_89 : memref<16384xf32, #tpu.memory_space<hbm>>)
    %dma_wait3A_90 = tpu.memref_slice %arg2[%add3A_48] : memref<8388608xf32, #tpu.memory_space<hbm>> -> memref<16384xf32, #tpu.memory_space<hbm>>
    %dma_wait3A_91 = tpu.memref_slice %arg2[%add3A_48] : memref<8388608xf32, #tpu.memory_space<hbm>> -> memref<16384xf32, #tpu.memory_space<hbm>>
    tpu.wait_dma2 semaphore(%arg4 : memref<!tpu.dma_semaphore, #tpu.memory_space<semaphore_mem>>) src(%arg3 : memref<16384xf32, #tpu.memory_space<vmem>>) dst(%dma_wait3A_91 : memref<16384xf32, #tpu.memory_space<hbm>>)
    %dma_wait3A_92 = tpu.memref_slice %arg2[%add3A_52] : memref<8388608xf32, #tpu.memory_space<hbm>> -> memref<16384xf32, #tpu.memory_space<hbm>>
    %dma_wait3A_93 = tpu.memref_slice %arg2[%add3A_52] : memref<8388608xf32, #tpu.memory_space<hbm>> -> memref<16384xf32, #tpu.memory_space<hbm>>
    tpu.wait_dma2 semaphore(%arg4 : memref<!tpu.dma_semaphore, #tpu.memory_space<semaphore_mem>>) src(%arg3 : memref<16384xf32, #tpu.memory_space<vmem>>) dst(%dma_wait3A_93 : memref<16384xf32, #tpu.memory_space<hbm>>)
    %dma_wait3A_94 = tpu.memref_slice %arg2[%add3A_56] : memref<8388608xf32, #tpu.memory_space<hbm>> -> memref<16384xf32, #tpu.memory_space<hbm>>
    %dma_wait3A_95 = tpu.memref_slice %arg2[%add3A_56] : memref<8388608xf32, #tpu.memory_space<hbm>> -> memref<16384xf32, #tpu.memory_space<hbm>>
    tpu.wait_dma2 semaphore(%arg4 : memref<!tpu.dma_semaphore, #tpu.memory_space<semaphore_mem>>) src(%arg3 : memref<16384xf32, #tpu.memory_space<vmem>>) dst(%dma_wait3A_95 : memref<16384xf32, #tpu.memory_space<hbm>>)
    %dma_wait3A_96 = tpu.memref_slice %arg2[%add3A_60] : memref<8388608xf32, #tpu.memory_space<hbm>> -> memref<16384xf32, #tpu.memory_space<hbm>>
    %dma_wait3A_97 = tpu.memref_slice %arg2[%add3A_60] : memref<8388608xf32, #tpu.memory_space<hbm>> -> memref<16384xf32, #tpu.memory_space<hbm>>
    tpu.wait_dma2 semaphore(%arg4 : memref<!tpu.dma_semaphore, #tpu.memory_space<semaphore_mem>>) src(%arg3 : memref<16384xf32, #tpu.memory_space<vmem>>) dst(%dma_wait3A_97 : memref<16384xf32, #tpu.memory_space<hbm>>)
    %dma_wait3A_98 = tpu.memref_slice %arg2[%add3A_64] : memref<8388608xf32, #tpu.memory_space<hbm>> -> memref<16384xf32, #tpu.memory_space<hbm>>
    %dma_wait3A_99 = tpu.memref_slice %arg2[%add3A_64] : memref<8388608xf32, #tpu.memory_space<hbm>> -> memref<16384xf32, #tpu.memory_space<hbm>>
    tpu.wait_dma2 semaphore(%arg4 : memref<!tpu.dma_semaphore, #tpu.memory_space<semaphore_mem>>) src(%arg3 : memref<16384xf32, #tpu.memory_space<vmem>>) dst(%dma_wait3A_99 : memref<16384xf32, #tpu.memory_space<hbm>>)
    %dma_wait3A_100 = tpu.memref_slice %arg2[%add3A_68] : memref<8388608xf32, #tpu.memory_space<hbm>> -> memref<16384xf32, #tpu.memory_space<hbm>>
    %dma_wait3A_101 = tpu.memref_slice %arg2[%add3A_68] : memref<8388608xf32, #tpu.memory_space<hbm>> -> memref<16384xf32, #tpu.memory_space<hbm>>
    tpu.wait_dma2 semaphore(%arg4 : memref<!tpu.dma_semaphore, #tpu.memory_space<semaphore_mem>>) src(%arg3 : memref<16384xf32, #tpu.memory_space<vmem>>) dst(%dma_wait3A_101 : memref<16384xf32, #tpu.memory_space<hbm>>)
    return
  }
}

module attributes {stable_mosaic.version = 14 : i64} {
  func.func @_router_body(%arg0: i32, %arg1: memref<2048x1024xf32, #tpu.memory_space<vmem>>, %arg2: memref<1024x8xf32, #tpu.memory_space<vmem>>, %arg3: memref<1x8xf32, #tpu.memory_space<vmem>>, %arg4: memref<1x8xf32, #tpu.memory_space<vmem>>, %arg5: memref<1x1xf32, #tpu.memory_space<vmem>>) attributes {dimension_semantics = [#tpu.dimension_semantics<arbitrary>], iteration_bounds = array<i64: 4>, scalar_prefetch = 0 : i64, scratch_operands = 0 : i64, tpu.core_type = #tpu.core_type<tc>, window_params = [{transform_indices = @transform_0, window_bounds = array<i64: 2048, 1024>}, {pipeline_mode = #tpu.pipeline_mode<synchronous>, transform_indices = @transform_1, window_bounds = array<i64: 1024, 8>}, {pipeline_mode = #tpu.pipeline_mode<synchronous>, transform_indices = @transform_2, window_bounds = array<i64: 1, 8>}, {pipeline_mode = #tpu.pipeline_mode<synchronous>, transform_indices = @transform_3, window_bounds = array<i64: 1, 8>}, {pipeline_mode = #tpu.pipeline_mode<synchronous>, transform_indices = @transform_4, window_bounds = array<i64: 1, 1>}]} {
    %eq3A = arith.constant 0 : i32
    %eq3A_0 = arith.cmpi eq, %arg0, %eq3A : i32
    %convert_element_type3A = arith.extui %eq3A_0 : i1 to i32
    %cond3A = arith.constant 0 : i32
    %cond3A_1 = arith.cmpi ne, %convert_element_type3A, %cond3A : i32
    scf.if %cond3A_1 {
      %broadcast_in_dim3A_69 = arith.constant 0.000000e+00 : f32
      %broadcast_in_dim3A_70 = vector.broadcast %broadcast_in_dim3A_69 : f32 to vector<1x8xf32>
      %swap3A_71 = arith.constant 0 : index
      %swap3A_72 = arith.constant 0 : index
      %swap3A_73 = vector.load %arg4[%swap3A_71, %swap3A_72] : memref<1x8xf32, #tpu.memory_space<vmem>>, vector<1x8xf32>
      tpu.vector_store %arg4[%swap3A_71, %swap3A_72], %broadcast_in_dim3A_70 {strides = array<i32>} : memref<1x8xf32, #tpu.memory_space<vmem>>, vector<1x8xf32>,
      %broadcast_in_dim3A_74 = arith.constant 0.000000e+00 : f32
      %broadcast_in_dim3A_75 = vector.broadcast %broadcast_in_dim3A_74 : f32 to vector<1x1xf32>
      %swap3A_76 = arith.constant 0 : index
      %swap3A_77 = arith.constant 0 : index
      %swap3A_78 = vector.load %arg5[%swap3A_76, %swap3A_77] : memref<1x1xf32, #tpu.memory_space<vmem>>, vector<1x1xf32>
      tpu.vector_store %arg5[%swap3A_76, %swap3A_77], %broadcast_in_dim3A_75 {strides = array<i32>} : memref<1x1xf32, #tpu.memory_space<vmem>>, vector<1x1xf32>,
    } else {
    }
    %get3A = arith.constant 0 : index
    %get3A_2 = arith.constant 0 : index
    %get3A_3 = vector.load %arg1[%get3A, %get3A_2] : memref<2048x1024xf32, #tpu.memory_space<vmem>>, vector<2048x1024xf32>
    %get3A_4 = arith.constant 0 : index
    %get3A_5 = arith.constant 0 : index
    %get3A_6 = vector.load %arg2[%get3A_4, %get3A_5] : memref<1024x8xf32, #tpu.memory_space<vmem>>, vector<1024x8xf32>
    %dot_general3A = arith.constant dense<0.000000e+00> : vector<2048x8xf32>
    %dot_general3A_7 = tpu.matmul %get3A_3, %get3A_6, %dot_general3A {dimension_numbers = #tpu.dot_dimension_numbers<[1], [0], [0], [1], [0, 0, 1, 1], [], []>, transpose_lhs_hint = false} : vector<2048x1024xf32>, vector<1024x8xf32>, vector<2048x8xf32> -> vector<2048x8xf32>
    %get3A_8 = arith.constant 0 : index
    %get3A_9 = arith.constant 0 : index
    %get3A_10 = vector.load %arg3[%get3A_8, %get3A_9] : memref<1x8xf32, #tpu.memory_space<vmem>>, vector<1x8xf32>
    %add3A = vector.broadcast %get3A_10 : vector<1x8xf32> to vector<2048x8xf32>
    %add3A_11 = arith.addf %dot_general3A_7, %add3A : vector<2048x8xf32>
    %get3A_12 = arith.constant 0 : index
    %get3A_13 = arith.constant 0 : index
    %get3A_14 = vector.load %arg5[%get3A_12, %get3A_13] : memref<1x1xf32, #tpu.memory_space<vmem>>, vector<1x1xf32>
    %mul3A = arith.mulf %add3A_11, %add3A_11 : vector<2048x8xf32>
    %reduce_sum3A = vector.shape_cast %mul3A : vector<2048x8xf32> to vector<1x2048x8xf32>
    %reduce_sum3A_15 = arith.constant dense<0.000000e+00> : vector<1xf32>
    %reduce_sum3A_16 = vector.multi_reduction <add>, %reduce_sum3A, %reduce_sum3A_15 [1, 2] : vector<1x2048x8xf32> to vector<1xf32>
    %reduce_sum3A_17 = vector.shape_cast %reduce_sum3A_16 : vector<1xf32> to vector<1x1x1xf32>
    %reduce_sum3A_18 = vector.extract %reduce_sum3A_17[0, 0, 0] : f32 from vector<1x1x1xf32>
    %add3A_19 = vector.broadcast %reduce_sum3A_18 : f32 to vector<1x1xf32>
    %add3A_20 = arith.addf %get3A_14, %add3A_19 : vector<1x1xf32>
    %swap3A = arith.constant 0 : index
    %swap3A_21 = arith.constant 0 : index
    %swap3A_22 = vector.load %arg5[%swap3A, %swap3A_21] : memref<1x1xf32, #tpu.memory_space<vmem>>, vector<1x1xf32>
    tpu.vector_store %arg5[%swap3A, %swap3A_21], %add3A_20 {strides = array<i32>} : memref<1x1xf32, #tpu.memory_space<vmem>>, vector<1x1xf32>,
    %iota3A = tpu.iota {dimensions = array<i32: 1>} : vector<2048x8xi32>
    %reduce_max3A = arith.constant dense<0xFF800000> : vector<2048xf32>
    %reduce_max3A_23 = vector.multi_reduction <maximumf>, %add3A_11, %reduce_max3A [1] : vector<2048x8xf32> to vector<2048xf32>
    %broadcast_in_dim3A = vector.shape_cast %reduce_max3A_23 : vector<2048xf32> to vector<2048x1xf32>
    %eq3A_24 = vector.broadcast %broadcast_in_dim3A : vector<2048x1xf32> to vector<2048x8xf32>
    %eq3A_25 = arith.cmpf oeq, %add3A_11, %eq3A_24 : vector<2048x8xf32>
    %jit3A = arith.constant 8 : i32
    %broadcast_in_dim3A_26 = vector.broadcast %jit3A : i32 to vector<2048x8xi32>
    %select_n3A = arith.select %eq3A_25, %iota3A, %broadcast_in_dim3A_26 : vector<2048x8xi1>, vector<2048x8xi32>
    %reduce_min3A = arith.constant dense<2147483647> : vector<2048xi32>
    %reduce_min3A_27 = vector.multi_reduction <minsi>, %select_n3A, %reduce_min3A [1] : vector<2048x8xi32> to vector<2048xi32>
    %broadcast_in_dim3A_28 = vector.shape_cast %reduce_min3A_27 : vector<2048xi32> to vector<2048x1xi32>
    %eq3A_29 = vector.broadcast %broadcast_in_dim3A_28 : vector<2048x1xi32> to vector<2048x8xi32>
    %eq3A_30 = arith.cmpi eq, %iota3A, %eq3A_29 : vector<2048x8xi32>
    %jit3A_31 = arith.constant 0xFF800000 : f32
    %broadcast_in_dim3A_32 = vector.broadcast %jit3A_31 : f32 to vector<2048x8xf32>
    %select_n3A_33 = arith.select %eq3A_30, %broadcast_in_dim3A_32, %add3A_11 : vector<2048x8xi1>, vector<2048x8xf32>
    %reduce_max3A_34 = arith.constant dense<0xFF800000> : vector<2048xf32>
    %reduce_max3A_35 = vector.multi_reduction <maximumf>, %select_n3A_33, %reduce_max3A_34 [1] : vector<2048x8xf32> to vector<2048xf32>
    %broadcast_in_dim3A_36 = vector.shape_cast %reduce_max3A_35 : vector<2048xf32> to vector<2048x1xf32>
    %eq3A_37 = vector.broadcast %broadcast_in_dim3A_36 : vector<2048x1xf32> to vector<2048x8xf32>
    %eq3A_38 = arith.cmpf oeq, %select_n3A_33, %eq3A_37 : vector<2048x8xf32>
    %jit3A_39 = arith.constant 8 : i32
    %broadcast_in_dim3A_40 = vector.broadcast %jit3A_39 : i32 to vector<2048x8xi32>
    %select_n3A_41 = arith.select %eq3A_38, %iota3A, %broadcast_in_dim3A_40 : vector<2048x8xi1>, vector<2048x8xi32>
    %reduce_min3A_42 = arith.constant dense<2147483647> : vector<2048xi32>
    %reduce_min3A_43 = vector.multi_reduction <minsi>, %select_n3A_41, %reduce_min3A_42 [1] : vector<2048x8xi32> to vector<2048xi32>
    %broadcast_in_dim3A_44 = vector.shape_cast %reduce_min3A_43 : vector<2048xi32> to vector<2048x1xi32>
    %eq3A_45 = vector.broadcast %broadcast_in_dim3A_28 : vector<2048x1xi32> to vector<2048x8xi32>
    %eq3A_46 = arith.cmpi eq, %iota3A, %eq3A_45 : vector<2048x8xi32>
    %convert_element_type3A_47 = arith.extui %eq3A_46 : vector<2048x8xi1> to vector<2048x8xi32>
    %convert_element_type3A_48 = arith.sitofp %convert_element_type3A_47 : vector<2048x8xi32> to vector<2048x8xf32>
    %eq3A_49 = vector.broadcast %broadcast_in_dim3A_44 : vector<2048x1xi32> to vector<2048x8xi32>
    %eq3A_50 = arith.cmpi eq, %iota3A, %eq3A_49 : vector<2048x8xi32>
    %convert_element_type3A_51 = arith.extui %eq3A_50 : vector<2048x8xi1> to vector<2048x8xi32>
    %convert_element_type3A_52 = arith.sitofp %convert_element_type3A_51 : vector<2048x8xi32> to vector<2048x8xf32>
    %add3A_53 = arith.addf %convert_element_type3A_48, %convert_element_type3A_52 : vector<2048x8xf32>
    %get3A_54 = arith.constant 0 : index
    %get3A_55 = arith.constant 0 : index
    %get3A_56 = vector.load %arg4[%get3A_54, %get3A_55] : memref<1x8xf32, #tpu.memory_space<vmem>>, vector<1x8xf32>
    %reduce_sum3A_57 = arith.constant dense<0.000000e+00> : vector<8xf32>
    %reduce_sum3A_58 = vector.multi_reduction <add>, %add3A_53, %reduce_sum3A_57 [0] : vector<2048x8xf32> to vector<8xf32>
    %broadcast_in_dim3A_59 = vector.shape_cast %reduce_sum3A_58 : vector<8xf32> to vector<1x8xf32>
    %add3A_60 = arith.addf %get3A_56, %broadcast_in_dim3A_59 : vector<1x8xf32>
    %swap3A_61 = arith.constant 0 : index
    %swap3A_62 = arith.constant 0 : index
    %swap3A_63 = vector.load %arg4[%swap3A_61, %swap3A_62] : memref<1x8xf32, #tpu.memory_space<vmem>>, vector<1x8xf32>
    tpu.vector_store %arg4[%swap3A_61, %swap3A_62], %add3A_60 {strides = array<i32>} : memref<1x8xf32, #tpu.memory_space<vmem>>, vector<1x8xf32>,
    %eq3A_64 = arith.constant 3 : i32
    %eq3A_65 = arith.cmpi eq, %arg0, %eq3A_64 : i32
    %convert_element_type3A_66 = arith.extui %eq3A_65 : i1 to i32
    %cond3A_67 = arith.constant 0 : i32
    %cond3A_68 = arith.cmpi ne, %convert_element_type3A_66, %cond3A_67 : i32
    scf.if %cond3A_68 {
      %get3A_69 = arith.constant 0 : index
      %get3A_70 = arith.constant 0 : index
      %get3A_71 = vector.load %arg4[%get3A_69, %get3A_70] : memref<1x8xf32, #tpu.memory_space<vmem>>, vector<1x8xf32>
      %min3A = arith.constant 1.280000e+03 : f32
      %min3A_72 = vector.broadcast %min3A : f32 to vector<1x8xf32>
      %min3A_73 = arith.minimumf %get3A_71, %min3A_72 : vector<1x8xf32>
      %swap3A_74 = arith.constant 0 : index
      %swap3A_75 = arith.constant 0 : index
      %swap3A_76 = vector.load %arg4[%swap3A_74, %swap3A_75] : memref<1x8xf32, #tpu.memory_space<vmem>>, vector<1x8xf32>
      tpu.vector_store %arg4[%swap3A_74, %swap3A_75], %min3A_73 {strides = array<i32>} : memref<1x8xf32, #tpu.memory_space<vmem>>, vector<1x8xf32>,
      %reduce_sum3A_77 = vector.shape_cast %min3A_73 : vector<1x8xf32> to vector<1x1x8xf32>
      %reduce_sum3A_78 = arith.constant dense<0.000000e+00> : vector<1xf32>
      %reduce_sum3A_79 = vector.multi_reduction <add>, %reduce_sum3A_77, %reduce_sum3A_78 [1, 2] : vector<1x1x8xf32> to vector<1xf32>
      %reduce_sum3A_80 = vector.shape_cast %reduce_sum3A_79 : vector<1xf32> to vector<1x1x1xf32>
      %reduce_sum3A_81 = vector.extract %reduce_sum3A_80[0, 0, 0] : f32 from vector<1x1x1xf32>
      %add3A_82 = arith.constant 9.99999997E-7 : f32
      %add3A_83 = arith.addf %reduce_sum3A_81, %add3A_82 : f32
      %div3A = vector.broadcast %add3A_83 : f32 to vector<1x8xf32>
      %div3A_84 = arith.divf %min3A_73, %div3A : vector<1x8xf32>
      %mul3A_85 = arith.mulf %div3A_84, %div3A_84 : vector<1x8xf32>
      %reduce_sum3A_86 = vector.shape_cast %mul3A_85 : vector<1x8xf32> to vector<1x1x8xf32>
      %reduce_sum3A_87 = arith.constant dense<0.000000e+00> : vector<1xf32>
      %reduce_sum3A_88 = vector.multi_reduction <add>, %reduce_sum3A_86, %reduce_sum3A_87 [1, 2] : vector<1x1x8xf32> to vector<1xf32>
      %reduce_sum3A_89 = vector.shape_cast %reduce_sum3A_88 : vector<1xf32> to vector<1x1x1xf32>
      %reduce_sum3A_90 = vector.extract %reduce_sum3A_89[0, 0, 0] : f32 from vector<1x1x1xf32>
      %mul3A_91 = arith.constant 8.000000e+00 : f32
      %mul3A_92 = arith.mulf %mul3A_91, %reduce_sum3A_90 : f32
      %get3A_93 = arith.constant 0 : index
      %get3A_94 = arith.constant 0 : index
      %get3A_95 = vector.load %arg5[%get3A_93, %get3A_94] : memref<1x1xf32, #tpu.memory_space<vmem>>, vector<1x1xf32>
      %mul3A_96 = arith.constant 1.000000e-03 : f32
      %mul3A_97 = vector.broadcast %mul3A_96 : f32 to vector<1x1xf32>
      %mul3A_98 = arith.mulf %mul3A_97, %get3A_95 : vector<1x1xf32>
      %div3A_99 = arith.constant 6.553600e+04 : f32
      %div3A_100 = vector.broadcast %div3A_99 : f32 to vector<1x1xf32>
      %div3A_101 = arith.divf %mul3A_98, %div3A_100 : vector<1x1xf32>
      %add3A_102 = vector.broadcast %mul3A_92 : f32 to vector<1x1xf32>
      %add3A_103 = arith.addf %add3A_102, %div3A_101 : vector<1x1xf32>
      %swap3A_104 = arith.constant 0 : index
      %swap3A_105 = arith.constant 0 : index
      %swap3A_106 = vector.load %arg5[%swap3A_104, %swap3A_105] : memref<1x1xf32, #tpu.memory_space<vmem>>, vector<1x1xf32>
      tpu.vector_store %arg5[%swap3A_104, %swap3A_105], %add3A_103 {strides = array<i32>} : memref<1x1xf32, #tpu.memory_space<vmem>>, vector<1x1xf32>,
    } else {
    }
    return
  }
  func.func @transform_0(%arg0: i32) -> (i32, i32) {
    %c0_i32 = arith.constant 0 : i32
    %c0_i32_0 = arith.constant 0 : i32
    return %arg0, %c0_i32 : i32, i32
  }
  func.func @transform_1(%arg0: i32) -> (i32, i32) {
    %c0_i32 = arith.constant 0 : i32
    %c0_i32_0 = arith.constant 0 : i32
    %c0_i32_1 = arith.constant 0 : i32
    return %c0_i32, %c0_i32_0 : i32, i32
  }
  func.func @transform_2(%arg0: i32) -> (i32, i32) {
    %c0_i32 = arith.constant 0 : i32
    %c0_i32_0 = arith.constant 0 : i32
    %c0_i32_1 = arith.constant 0 : i32
    return %c0_i32, %c0_i32_0 : i32, i32
  }
  func.func @transform_3(%arg0: i32) -> (i32, i32) {
    %c0_i32 = arith.constant 0 : i32
    %c0_i32_0 = arith.constant 0 : i32
    %c0_i32_1 = arith.constant 0 : i32
    return %c0_i32, %c0_i32_0 : i32, i32
  }
  func.func @transform_4(%arg0: i32) -> (i32, i32) {
    %c0_i32 = arith.constant 0 : i32
    %c0_i32_0 = arith.constant 0 : i32
    %c0_i32_1 = arith.constant 0 : i32
    return %c0_i32, %c0_i32_0 : i32, i32
  }
}

</mosaic_0001>

<sc_bundles>
// kernel: kernel.4.cloned.1.call-start
scs
__scs_entry_jumppad:
0x0: {  	(pc) =	sbr.rel $0x88, $3  }
0x1: {  	(tag) =	ssettag $0x0;
	lr =	simm.s32 $0x1  }
0x2: {  	[smem:$0x3F9E] =	sst lr;
	_ =	strace $0xD0000000  }
0x3: {  	_ = 	snop  }
0x4: {  	_ = 	snop  }
0x5: {  	_ = 	snop  }
0x6: {  	_ = 	snop  }
0x7: {  	_ = 	snop  }
__scs_overlays_trampoline_lowered:
0x8: {  	[smem:$0x3FAD] =	sst s0  }
0x9: {  	[smem:$0x3FAE] =	sst s1  }
0xa: {  	[smem:$0x3FAF] =	sst s2  }
0xb: {  	[smem:$0x3FB0] =	sst s3  }
0xc: {  	[smem:$0x3FB1] =	sst s4  }
0xd: {  	[smem:$0x3FB2] =	sst s5  }
0xe: {  	[smem:$0x3FB3] =	sst s6  }
0xf: {  	[smem:$0x3FB4] =	sst s7  }
0x10: {  	[smem:$0x3FB5] =	sst s8  }
0x11: {  	[smem:$0x3FB6] =	sst s9;
	s0 =	simm.s32 @!p0 $0x0  }
0x12: {  	s1 =	sld [smem:$0x3F9C];
	s0 =	simm.s32 @p0 $0x1  }
0x13: {  	[smem:$0x3FB7] =	sst s0;
	s0 =	simm.s32 @!p1 $0x0  }
0x14: {  	s2 =	sld [smem:$0x3F9B];
	s0 =	simm.s32 @p1 $0x1  }
0x15: {  	[smem:$0x3FB8] =	sst s0;
	s0 =	simm.s32 @!p2 $0x0  }
0x16: {  	s3 =	sld [smem:$0x3FDB];
	s0 =	simm.s32 @p2 $0x1  }
0x17: {  	s4 =	simm.s32 $0x1BF5;
	[smem:$0x3FBA] =	sst s0  }
0x18: {  	s0 =	sld [smem:$0x3F9D];
	_ =	swait.ge [sflag:s4], $0x0  }
0x19: {  	s7 =	sld [smem:$0x3F9E]  }
0x1a: {  	s8 =	sadd.s32 $0xFFFFE003, lr  }
0x1b: {  	s9 =	sadd.s32 $0xFFFFFEF7, lr;
	s5 =	simm.s32 $0xFFFFFFFF;
	p2 =	slt.u32 s8, $0xFFFFF086  }
0x1c: {  	p1 =	slt.u32 s9, $0xF7A;
	s5 =	simm.s32 @!p2 $0x0  }
0x1d: {  	s5 =	simm.s32 @p1 $0x1;
	p0 =	seq.s32 s7, s2  }
0x1e: {  	s7 =	smul.u32 @!p0 $0xF7A, s2;
	p2 =	seq.s32 @!p0 s5, $0x0  }
0x1f: {  	s9 =	smul.u32 $0xF7A, s1;
	s8 =	simm.s32 @!p0 $0x1BF5;
	p2 =	por !p2, p0  }
0x20: {  	[sflag:s8] =	ssyncset.s32 @!p0 $0xFFFFF086;
	s6 =	sadd.s32 @!p0 s3, s7;
	s7 =	simm.s32 @!p0 $0x108  }
0x21: {  	s3 =	sadd.s32 s3, s9;
	s6 =	sadd.s32 @!p0 $0x88, s6;
	s7 =	simm.s32 @p2 $0x1082  }
0x22: {  	[simem:s7], [sflag:s8] =	dma.local @!p0 [hbm:s6], $0xF7A  }
0x23: {  	s9 =	sor.u32 $0xD0000000, s2;
	s6 =	simm.s32 $0x108;
	_ =	swait.ge @!p0 [sflag:s8], $0x0  }
0x24: {  	s3 =	sadd.s32 $0x88, s3;
	s6 =	simm.s32 @!p1 $0x1082;
	[sflag:s4] =	ssyncset.s32 $0xFFFFF086  }
0x25: {  	[simem:s6], [sflag:s4] =	dma.local [hbm:s3], $0xF7A  }
0x26: {  	[smem:$0x3F9E] =	sst s1;
	(tag) =	ssettag s2;
	_ =	strace s9  }
0x27: {  	s1 =	sld [smem:$0x3FAE]  }
0x28: {  	s2 =	sld [smem:$0x3FAF]  }
0x29: {  	s4 =	sld [smem:$0x3FB1]  }
0x2a: {  	p0 =	seq.s32 s5, $0x0;
	s5 =	sld [smem:$0x3FB2]  }
0x2b: {  	s6 =	sld [smem:$0x3FB3]  }
0x2c: {  	s7 =	sld [smem:$0x3FB4]  }
0x2d: {  	s3 =	simm.s32 $0x108;
	s8 =	sld [smem:$0x3FB5]  }
0x2e: {  	s3 =	simm.s32 @!p0 $0x1082;
	s9 =	sld [smem:$0x3FB6]  }
0x2f: {  	lr =	sadd.s32 s0, s3;
	s0 =	sld [smem:$0x3FAD]  }
0x30: {  	s3 =	sld [smem:$0x3FB0]  }
0x31: {  	[smem:$0x3FB9] =	sst s10  }
0x32: {  	s10 =	sld [smem:$0x3FB7];
	_ =	sdelay $0x3  }
0x33: {  	p0 =	seq.s32 s10, $0x1;
	s10 =	sld [smem:$0x3FB9];
	_ =	sdelay $0x3  }
0x34: {  	[smem:$0x3FB9] =	sst s10  }
0x35: {  	s10 =	sld [smem:$0x3FB8];
	_ =	sdelay $0x3  }
0x36: {  	p1 =	seq.s32 s10, $0x1;
	s10 =	sld [smem:$0x3FB9];
	_ =	sdelay $0x3  }
0x37: {  	[smem:$0x3FB9] =	sst s10  }
0x38: {  	s10 =	sld [smem:$0x3FBA]  }
0x39: {  	_ = 	snop;
	(pc) =	sbr.ind lr, $3  }
0x3a: {  	_ = 	snop  }
0x3b: {  	_ = 	snop  }
0x3c: {  	p2 =	seq.s32 s10, $0x1;
	s10 =	sld [smem:$0x3FB9]  }
0x3d: {  	_ =	shalt  }
0x3e: {  	_ =	shalt  }
0x3f: {  	_ =	shalt  }
0x40: {  	_ =	shalt  }
0x41: {  	_ =	shalt  }
0x42: {  	_ =	shalt  }
0x43: {  	_ =	shalt  }
0x44: {  	_ =	shalt  }
0x45: {  	_ =	shalt  }
0x46: {  	_ =	shalt  }
0x47: {  	_ =	shalt  }
0x48: {  	_ =	shalt  }
0x49: {  	_ =	shalt  }
0x4a: {  	_ =	shalt  }
0x4b: {  	_ =	shalt  }
0x4c: {  	_ =	shalt  }
0x4d: {  	_ =	shalt  }
0x4e: {  	_ =	shalt  }
0x4f: {  	_ =	shalt  }
0x50: {  	_ =	shalt  }
0x51: {  	_ =	shalt  }
0x52: {  	_ =	shalt  }
0x53: {  	_ =	shalt  }
0x54: {  	_ =	shalt  }
0x55: {  	_ =	shalt  }
0x56: {  	_ =	shalt  }
0x57: {  	_ =	shalt  }
0x58: {  	_ =	shalt  }
0x59: {  	_ =	shalt  }
0x5a: {  	_ =	shalt  }
0x5b: {  	_ =	shalt  }
0x5c: {  	_ =	shalt  }
0x5d: {  	_ =	shalt  }
0x5e: {  	_ =	shalt  }
0x5f: {  	_ =	shalt  }
0x60: {  	_ =	shalt  }
0x61: {  	_ =	shalt  }
0x62: {  	_ =	shalt  }
0x63: {  	_ =	shalt  }
0x64: {  	_ =	shalt  }
0x65: {  	_ =	shalt  }
0x66: {  	_ =	shalt  }
0x67: {  	_ =	shalt  }
0x68: {  	_ =	shalt  }
0x69: {  	_ =	shalt  }
0x6a: {  	_ =	shalt  }
0x6b: {  	_ =	shalt  }
0x6c: {  	_ =	shalt  }
0x6d: {  	_ =	shalt  }
0x6e: {  	_ =	shalt  }
0x6f: {  	_ =	shalt  }
0x70: {  	_ =	shalt  }
0x71: {  	_ =	shalt  }
0x72: {  	_ =	shalt  }
0x73: {  	_ =	shalt  }
0x74: {  	_ =	shalt  }
0x75: {  	_ =	shalt  }
0x76: {  	_ =	shalt  }
0x77: {  	_ =	shalt  }
0x78: {  	_ =	shalt  }
0x79: {  	_ =	shalt  }
0x7a: {  	_ =	shalt  }
0x7b: {  	_ =	shalt  }
0x7c: {  	_ =	shalt  }
0x7d: {  	_ =	shalt  }
0x7e: {  	_ =	shalt  }
0x7f: {  	_ =	shalt  }
0x80: {  	_ =	shalt  }
0x81: {  	_ =	shalt  }
0x82: {  	_ =	shalt  }
0x83: {  	_ =	shalt  }
0x84: {  	_ =	shalt  }
0x85: {  	_ =	shalt  }
0x86: {  	_ =	shalt  }
0x87: {  	_ =	shalt  }
.Lfunc_end0:
.L_simem_size_0:
called_computation_lowered:
.L_overlay_start_0:
0x88: {  	s2 =	sld [smem:$0x3FD9]  }
0x89: {  	s3 =	sld [smem:$0x3FFE];
	_ =	sdelay $0x1  }
0x8a: {  	s1 =	srdreg.scid  }
0x8b: {  	s0 =	sand.u32 $0x1, s1  }
0x8c: {  	s16 =	sshll.u32 s0, $0xA;
	s2 =	sadd.s32 s3, s2  }
0x8d: {  	s2 =	sadd.s32 s2, s16  }
0x8e: {  	[smem:$0x3FC5] =	sst s2  }
0x8f: {  	_ = 	snop  }
0x90: {  	(tm) =	ssettm $0x1  }
0x91: {  	s17 =	sld [smem:$0x3FFB];
	_ =	sdelay $0x3  }
0x92: {  	_ =	strace s17  }
0x93: {  	s2 =	sld [smem:$0x3FFC];
	_ =	sdelay $0x3  }
0x94: {  	_ =	strace s2  }
0x95: {  	s2 =	sld [smem:$0x3FFD];
	_ =	sdelay $0x3  }
0x96: {  	_ =	strace s2  }
0x97: {  	_ =	strace $0x8FFFFFFF  }
0x98: {  	s18 =	sld [smem:$0x3FDB];
	_ =	sdelay $0x1  }
0x99: {  	s19 =	simm.s32 $_scs_section_size  }
0x9a: {  	s4 =	simm.s32 $_size__tile_overlayer_lowered;
	s5 =	simm.s32 $_tile_overlayer_lowered  }
0x9b: {  	s22 =	simm.s32 $0x1BFF;
	s21 =	sshll.u32 s5, $0x1;
	s2 =	sadd.s32 s19, s18  }
0x9c: {  	s6 =	simm.s32 $0x0;
	s20 =	sshll.u32 s4, $0x1;
	s4 =	sadd.s32 s21, s2  }
0x9d: {  	[timem:s6], [sflag:s22] =	dma.local [hbm:s4], s20  }
0x9e: {  	_ =	swait.ge [sflag:s22], s20  }
0x9f: {  	s3 =	ssub.s32 $0x0, s20;
	[sflag:s22] =	ssyncset.done $0x0  }
0xa0: {  	[sflag:s22] =	ssyncadd.s32 s3;
	_ =	sdelay $0x1  }
0xa1: {  	s23 =	simm.s32 $0x1B8B  }
0xa2: {  	_ =	swait.ge [sflag:s23], $0x1  }
0xa3: {  	[sflag:s23] =	ssyncset.done $0x0  }
0xa4: {  	s25 =	simm.s32 $0x1B8E;
	s24 =	sld [smem:$0x3FFE];
	[sflag:s23] =	ssyncadd.s32 $0xFFFFFFFF  }
0xa5: {  	s26 =	simm.s32 $execute0_lowered;
	[smem:$0x3FD2] =	sst s25  }
0xa6: {  	s4 =	sshll.u32 s26, $0x1;
	_ =	strace $0x80000046;
	[dreg:$0x1] =	wrdreg $0xFFFFFFFF  }
0xa7: {  	s28 =	simm.s32 $_size_execute0_lowered;
	s2 =	sadd.s32 s2, s4;
	[dreg:$0x0] =	wrdreg $0x0  }
0xa8: {  	s4 =	sshll.u32 s28, $0x1;
	[dreg:$0x2] =	wrdreg s2  }
0xa9: {  	[dreg:$0x3] =	wrdreg s4  }
0xaa: {  	[dreg:$0x4] =	wrdreg $0xC0  }
0xab: {  	_ =	task [dreg:s6], $0x5FFFF  }
0xac: {  	[dreg:$0x1] =	wrdreg $0xFFFFFFFF  }
0xad: {  	[dreg:$0x0] =	wrdreg $0x60  }
0xae: {  	[dreg:$0x2] =	wrdreg s24  }
0xaf: {  	[dreg:$0x3] =	wrdreg $0x9  }
0xb0: {  	_ =	task.clear_ibuf [dreg:s6], $0x4FFFF;
	_ =	strace $0x90000046  }
0xb1: {  	s29 =	simm.s32 $0x9;
	_ =	strace $0x80000048  }
0xb2: {  	_ =	swait.ge [sflag:s29], $0x1  }
0xb3: {  	[sflag:s29] =	ssyncadd.s32 $0xFFFFFFFF  }
0xb4: {  	_ =	strace $0x90000048  }
0xb5: {  	_ =	sfence  }
0xb6: {  	s30 =	sld [smem:$0x0];
	_ =	sdelay $0x2  }
0xb7: {  	s31 =	sshll.u32 s1, $0xD;
	s1 =	sshrl.u32 s1, $0x2  }
0xb8: {  	s3 =	sand.u32 $0x4000, s31;
	s1 =	sadd.s32 s1, s30  }
0xb9: {  	s0 =	sor.u32 s3, s0;
	s1 =	sshll.u32 s1, $0x11  }
0xba: {  	s0 =	sor.u32 s1, s0  }
0xbb: {  	s0 =	sadd.s32 $0x8F2B, s0  }
0xbc: {  	[sflag:s0] =	ssyncadd.remote.s32 $0x1  }
0xbd: {  	_ =	sfence.sel $0xFFFF  }
0xbe: {  	[dreg:$0x0] =	wrdreg $0xFFFFFFFF;
	(pc) =	sbr.abs _section_cstart, $3  }
0xbf: {  	[dreg:$0x1] =	wrdreg $0xFFFFFFFF  }
0xc0: {  	_ =	task.clear_ibuf [dreg:s6], $0x2FFFF;
	_ =	strace $0x9FFFFFFF  }
0xc1: {  	(tm) =	ssettm $0x7FFFFFFF  }
tec
execute0_lowered:
.L_overlay_start_1:
0x0: {  	(tag) =	ssettag $0x1  }
0x1: {  	s0 =	srdreg.scid  }
0x2: {  	s3 =	rddreg [dreg:$0x0];
	s1 =	stileid.u32;
	s2 =	simm.s32 $0x0  }
0x3: {  	s20 =	simm.s32 $0x1;
	s21 =	simm.s32 $0x0;
	s4 =	sand.u32 $0x1, s0  }
0x4: {  	s0 =	rddreg [dreg:$0x1];
	s5 =	sshll.u32 s1, $0x10;
	s6 =	sshll.u32 s4, $0xF  }
0x5: {  	[smem:$0x7FF] =	sst s2;
	s4 =	ssub.s32 $0x2, s4;
	s5 =	sor.u32 s6, s5  }
0x6: {  	_ =	strace $0x80000047;
	s31 =	sshrl.u32 s4, $0x1;
	s18 =	sadd.s32 s5, s3  }
0x7: {  	s19 =	ssub.s32 s4, s31;
	s3 =	sadd.s32 $0xA00, s18;
	s4 =	sadd.s32 $0x1200, s18  }
0x8: {  	s5 =	sadd.s32 $0x1A00, s18;
	s6 =	sadd.s32 $0x2200, s18;
	s7 =	sadd.s32 $0x2A00, s18  }
0x9: {  	s8 =	sadd.s32 $0x3200, s18;
	s9 =	sadd.s32 $0x3A00, s18;
	s10 =	sadd.s32 $0x4200, s18  }
0xa: {  	s11 =	sadd.s32 $0x4A00, s18;
	s12 =	sadd.s32 $0x5200, s18;
	s13 =	sadd.s32 $0x5A00, s18  }
0xb: {  	s14 =	sadd.s32 $0x6200, s18;
	s15 =	sadd.s32 $0x6A00, s18;
	s16 =	sadd.s32 $0x7200, s18  }
0xc: {  	v0 =	vimm.f32 $0.0e+00;
	s17 =	sadd.s32 $0x7A00, s18;
	s18 =	sadd.s32 $0x8200, s18;
	s19 =	smax.u32 s19, $0x1  }
.LBB2_1:
0xd: {  	s22 =	simm.s32 $0x40;
	s23 =	simm.s32 $0x0  }
.LBB2_2:
0xe: {  	p0 =	sne.s32 s22, $0xFFC0;
	[tilespmem:s23+$0x0] =	vst v0;
	s23 =	smov.u32 s22;
	s22 =	sadd.s32 $0x40, s22  }
.Ltmp0:
0xf: {  	(pc) =	sbr.rel @p0 .LBB2_2-.Ltmp0, $2  }
0x10: {  	_ =	sdelay $0x2  }
0x11: {  	s23 =	sshra.s32 s23, $0x2  }
0x12: {  	[tilespmem:s23+$0x0] =	vst v0  }
0x13: {  	[hbm4b:s3+s2] =	stream.linear.scatter [tilespmem:s2], [sflag:$0x1], $0x4000, $0x38;
	[tilespmem:$0x4000] =	vst v63  }
0x14: {  	_ = 	snop  }
0x15: {  	[hbm4b:s4+s2] =	stream.linear.scatter [tilespmem:s2], [sflag:$0x1], $0x4000, $0x38;
	[tilespmem:$0x4000] =	vst v63  }
0x16: {  	_ = 	snop  }
0x17: {  	[hbm4b:s5+s2] =	stream.linear.scatter [tilespmem:s2], [sflag:$0x1], $0x4000, $0x38;
	[tilespmem:$0x4000] =	vst v63  }
0x18: {  	_ = 	snop  }
0x19: {  	[hbm4b:s6+s2] =	stream.linear.scatter [tilespmem:s2], [sflag:$0x1], $0x4000, $0x38;
	[tilespmem:$0x4000] =	vst v63  }
0x1a: {  	_ = 	snop  }
0x1b: {  	[hbm4b:s7+s2] =	stream.linear.scatter [tilespmem:s2], [sflag:$0x1], $0x4000, $0x38;
	[tilespmem:$0x4000] =	vst v63  }
0x1c: {  	_ = 	snop  }
0x1d: {  	[hbm4b:s8+s2] =	stream.linear.scatter [tilespmem:s2], [sflag:$0x1], $0x4000, $0x38;
	[tilespmem:$0x4000] =	vst v63  }
0x1e: {  	_ = 	snop  }
0x1f: {  	[hbm4b:s9+s2] =	stream.linear.scatter [tilespmem:s2], [sflag:$0x1], $0x4000, $0x38;
	[tilespmem:$0x4000] =	vst v63  }
0x20: {  	_ = 	snop  }
0x21: {  	[hbm4b:s10+s2] =	stream.linear.scatter [tilespmem:s2], [sflag:$0x1], $0x4000, $0x38;
	[tilespmem:$0x4000] =	vst v63  }
0x22: {  	_ = 	snop  }
0x23: {  	[hbm4b:s11+s2] =	stream.linear.scatter [tilespmem:s2], [sflag:$0x1], $0x4000, $0x38;
	[tilespmem:$0x4000] =	vst v63  }
0x24: {  	_ = 	snop  }
0x25: {  	[hbm4b:s12+s2] =	stream.linear.scatter [tilespmem:s2], [sflag:$0x1], $0x4000, $0x38;
	[tilespmem:$0x4000] =	vst v63  }
0x26: {  	_ = 	snop  }
0x27: {  	[hbm4b:s13+s2] =	stream.linear.scatter [tilespmem:s2], [sflag:$0x1], $0x4000, $0x38;
	[tilespmem:$0x4000] =	vst v63  }
0x28: {  	_ = 	snop  }
0x29: {  	[hbm4b:s14+s2] =	stream.linear.scatter [tilespmem:s2], [sflag:$0x1], $0x4000, $0x38;
	[tilespmem:$0x4000] =	vst v63  }
0x2a: {  	_ = 	snop  }
0x2b: {  	[hbm4b:s15+s2] =	stream.linear.scatter [tilespmem:s2], [sflag:$0x1], $0x4000, $0x38;
	[tilespmem:$0x4000] =	vst v63  }
0x2c: {  	_ = 	snop  }
0x2d: {  	[hbm4b:s16+s2] =	stream.linear.scatter [tilespmem:s2], [sflag:$0x1], $0x4000, $0x38;
	[tilespmem:$0x4000] =	vst v63  }
0x2e: {  	_ = 	snop  }
0x2f: {  	[hbm4b:s17+s2] =	stream.linear.scatter [tilespmem:s2], [sflag:$0x1], $0x4000, $0x38;
	[tilespmem:$0x4000] =	vst v63  }
0x30: {  	_ = 	snop  }
0x31: {  	[hbm4b:s18+s2] =	stream.linear.scatter [tilespmem:s2], [sflag:$0x1], $0x4000, $0x38;
	[tilespmem:$0x4000] =	vst v63  }
0x32: {  	_ =	swait.ge [sflag:s20], $0x4000  }
0x33: {  	[sflag:s20] =	ssyncset.done $0x0  }
0x34: {  	[sflag:s20] =	ssyncadd.s32 $0xFFFFC000  }
0x35: {  	_ =	swait.ge [sflag:s20], $0x4000  }
0x36: {  	[sflag:s20] =	ssyncset.done $0x0  }
0x37: {  	[sflag:s20] =	ssyncadd.s32 $0xFFFFC000  }
0x38: {  	_ =	swait.ge [sflag:s20], $0x4000  }
0x39: {  	[sflag:s20] =	ssyncset.done $0x0  }
0x3a: {  	[sflag:s20] =	ssyncadd.s32 $0xFFFFC000  }
0x3b: {  	_ =	swait.ge [sflag:s20], $0x4000  }
0x3c: {  	[sflag:s20] =	ssyncset.done $0x0  }
0x3d: {  	[sflag:s20] =	ssyncadd.s32 $0xFFFFC000  }
0x3e: {  	_ =	swait.ge [sflag:s20], $0x4000  }
0x3f: {  	[sflag:s20] =	ssyncset.done $0x0  }
0x40: {  	[sflag:s20] =	ssyncadd.s32 $0xFFFFC000  }
0x41: {  	_ =	swait.ge [sflag:s20], $0x4000  }
0x42: {  	[sflag:s20] =	ssyncset.done $0x0  }
0x43: {  	[sflag:s20] =	ssyncadd.s32 $0xFFFFC000  }
0x44: {  	_ =	swait.ge [sflag:s20], $0x4000  }
0x45: {  	[sflag:s20] =	ssyncset.done $0x0  }
0x46: {  	[sflag:s20] =	ssyncadd.s32 $0xFFFFC000  }
0x47: {  	_ =	swait.ge [sflag:s20], $0x4000  }
0x48: {  	[sflag:s20] =	ssyncset.done $0x0  }
0x49: {  	[sflag:s20] =	ssyncadd.s32 $0xFFFFC000  }
0x4a: {  	_ =	swait.ge [sflag:s20], $0x4000  }
0x4b: {  	[sflag:s20] =	ssyncset.done $0x0  }
0x4c: {  	[sflag:s20] =	ssyncadd.s32 $0xFFFFC000  }
0x4d: {  	_ =	swait.ge [sflag:s20], $0x4000  }
0x4e: {  	[sflag:s20] =	ssyncset.done $0x0  }
0x4f: {  	[sflag:s20] =	ssyncadd.s32 $0xFFFFC000  }
0x50: {  	_ =	swait.ge [sflag:s20], $0x4000  }
0x51: {  	[sflag:s20] =	ssyncset.done $0x0  }
0x52: {  	[sflag:s20] =	ssyncadd.s32 $0xFFFFC000  }
0x53: {  	_ =	swait.ge [sflag:s20], $0x4000  }
0x54: {  	[sflag:s20] =	ssyncset.done $0x0  }
0x55: {  	[sflag:s20] =	ssyncadd.s32 $0xFFFFC000  }
0x56: {  	_ =	swait.ge [sflag:s20], $0x4000  }
0x57: {  	[sflag:s20] =	ssyncset.done $0x0  }
0x58: {  	[sflag:s20] =	ssyncadd.s32 $0xFFFFC000  }
0x59: {  	_ =	swait.ge [sflag:s20], $0x4000  }
0x5a: {  	[sflag:s20] =	ssyncset.done $0x0  }
0x5b: {  	s21 =	sadd.s32 $0x1, s21;
	[sflag:s20] =	ssyncadd.s32 $0xFFFFC000  }
0x5c: {  	p0 =	sne.s32 s21, s19;
	_ =	swait.ge [sflag:s20], $0x4000  }
.Ltmp1:
0x5d: {  	[sflag:s20] =	ssyncset.done $0x0;
	(pc) =	sbr.rel @p0 .LBB2_1-.Ltmp1, $4  }
0x5e: {  	[sflag:s20] =	ssyncadd.s32 $0xFFFFC000  }
0x5f: {  	_ =	swait.ge [sflag:s20], $0x4000  }
0x60: {  	[sflag:s20] =	ssyncset.done $0x0  }
0x61: {  	[sflag:s20] =	ssyncadd.s32 $0xFFFFC000  }
0x62: {  	_ =	sfence.sel $0x180000  }
0x63: {  	[bflag:$0x0] =	sbarrier.arrive $0xFFFF  }
0x64: {  	p0 =	sne.s32 s1, $0x0;
	_ =	strace $0x90000047  }
0x65: {  	s0 =	sadd.s32 @!p0 $0x100000, s0;
	[bflag:$0x2] =	sbarrier.arrive $0xFFFF  }
0x66: {  	[sflag:s0] =	ssyncadd.tile.s32 @!p0 $0x1;
	_ =	shalt  }
.Lfunc_end2:
_tile_overlayer_lowered:
.L_overlay_start_2:
0x67: {  	(tag) =	ssettag $0x2  }
0x68: {  	s0 =	rddreg [dreg:$0x0];
	s2 =	stileid.u32  }
0x69: {  	s1 =	rddreg [dreg:$0x1];
	p0 =	sne.s32 s2, $0x0  }
0x6a: {  	s3 =	rddreg [dreg:$0x2];
	[bflag:$0x3] =	sbarrier.arrive $0xFFFF;
	s2 =	simm.s32 @!p0 $0x1C02  }
0x6b: {  	[timem:s3], [sflag:s2] =	dma.local @!p0 [hbm:s0], s1  }
0x6c: {  	s0 =	simm.s32 @!p0 $0x2  }
0x6d: {  	_ =	swait.ge @!p0 [sflag:s0], s1  }
0x6e: {  	s1 =	ssub.s32 @!p0 $0x0, s1;
	[sflag:s0] =	ssyncset.done @!p0 $0x0  }
0x6f: {  	[sflag:s0] =	ssyncadd.s32 @!p0 s1  }
0x70: {  	[bflag:$0x3] =	sbarrier.arrive $0xFFFF  }
0x71: {  	_ =	shalt  }

</sc_bundles>
